<compile_context>
chip_gen: v7x
topology: tpu7x:2x2x1
jax: 0.10.2.dev20260603
libtpu: 0.0.44.dev20260713+nightly
codegen_flags: <defaults>
</compile_context>

<pallas_src>
import functools

import jax
import jax.numpy as jnp
from jax import lax
from jax.experimental import pallas as pl
from jax.experimental.pallas import tpu as pltpu
from jax.experimental.pallas import tpu_sc as plsc

_BETA = 0.25
_K = 1024
_D = 64
_T = 4096
_N = 16384

_NC = 2
_NS = 16
_NW = _NC * _NS
_BW = _N // _NW
_CHUNK = 128
_NCH = _BW // _CHUNK


def _vq_tc_body(x_ref, e_ref, idx_ref, loss_ref, et_ref):
    e = e_ref[:]
    xb = x_ref[:]
    sim2 = jnp.dot(xb * -2.0, e, preferred_element_type=jnp.float32)
    x2 = jnp.sum(xb * xb, axis=1, keepdims=True)
    e2 = jnp.sum(e * e, axis=0, keepdims=True)
    dist = (x2 + e2) + sim2
    iota = jax.lax.broadcasted_iota(jnp.int32, (_T, _K), 1).astype(jnp.float32)
    m = jnp.min(dist, axis=1, keepdims=True)
    idx_f = jnp.min(jnp.where(dist == m, iota, float(_K)), axis=1)
    idx_ref[:, :] = idx_f.astype(jnp.int32).reshape(_T // _CHUNK, _CHUNK)

    part = jnp.sum(m)

    @pl.when(pl.program_id(0) == 0)
    def _():
        loss_ref[:, :] = jnp.zeros((1, 1), jnp.float32)
        et_ref[:, :] = jnp.concatenate(
            [e.T, jnp.zeros((_K, 128 - _D), jnp.float32)], axis=1
        )

    loss_ref[:, :] += jnp.full((1, 1), part)


def _tc_stage(xf, embeddings):
    return pl.pallas_call(
        _vq_tc_body,
        grid=(_N // _T,),
        in_specs=[
            pl.BlockSpec((_T, _D), lambda i: (i, 0)),
            pl.BlockSpec((_D, _K), lambda i: (0, 0)),
        ],
        out_specs=[
            pl.BlockSpec((_T // _CHUNK, _CHUNK), lambda i: (i, 0)),
            pl.BlockSpec((1, 1), lambda i: (0, 0)),
            pl.BlockSpec((_K, 128), lambda i: (0, 0)),
        ],
        out_shape=[
            jax.ShapeDtypeStruct((_N // _CHUNK, _CHUNK), jnp.int32),
            jax.ShapeDtypeStruct((1, 1), jnp.float32),
            jax.ShapeDtypeStruct((_K, 128), jnp.float32),
        ],
    )(xf, embeddings)


_sc_mesh = plsc.VectorSubcoreMesh(core_axis_name="c", subcore_axis_name="s")


@functools.partial(
    pl.kernel,
    out_type=jax.ShapeDtypeStruct((_N, _D), jnp.float32),
    mesh=_sc_mesh,
    scratch_types=[
        pltpu.VMEM((_NCH, _CHUNK), jnp.int32),
        pltpu.VMEM((2, _CHUNK, 128), jnp.float32),
        pltpu.VMEM((_BW, _D), jnp.float32),
        pltpu.SemaphoreType.DMA,
        pltpu.SemaphoreType.DMA,
    ],
)
def _sc_gather(et_hbm, idx_hbm, out_hbm, idx_v, rows_v, out_v, sem0, sem1):
    wid = lax.axis_index("s") * _NC + lax.axis_index("c")
    base = wid * _BW
    sems = (sem0, sem1)
    pltpu.sync_copy(idx_hbm.at[pl.ds(wid * _NCH, _NCH)], idx_v)
    copies = [None, None]
    copies[0] = pltpu.async_copy(
        et_hbm.at[idx_v.at[0]], rows_v.at[0], sems[0]
    )
    for j in range(_NCH):
        b = j % 2
        copies[b].wait()
        if j + 1 < _NCH:
            nb = (j + 1) % 2
            copies[nb] = pltpu.async_copy(
                et_hbm.at[idx_v.at[j + 1]], rows_v.at[nb], sems[nb]
            )
        def _compact(t, _, j=j, b=b):
            for k in range(_D // 16):
                out_v[j * _CHUNK + t, pl.ds(k * 16, 16)] = rows_v[
                    b, t, pl.ds(k * 16, 16)
                ]
            return 0

        lax.fori_loop(0, _CHUNK, _compact, 0)
    pltpu.sync_copy(out_v, out_hbm.at[pl.ds(base, _BW)])


def kernel(x, embeddings):
    xf = x.reshape(_N, _D)
    idx, loss_sum, et = _tc_stage(xf, embeddings)
    q = _sc_gather(et, idx)
    vq_loss = loss_sum[0, 0] * ((1.0 + _BETA) / (_N * _D))
    return q.reshape(x.shape), vq_loss

# --- scband reference (transcript-rebuilt; emitter-appended) ---
"""Pipeline reference for scband-vqvaetrainer-32100585571103 (READ-ONLY COPY).

The authoritative reference and input builder live on the scoring server;
editing this copy changes nothing except your own understanding.
"""

import jax, jax.numpy as jnp
import numpy as np

BETA = 0.25
NUM_EMBEDDINGS = 1024
EMBEDDING_DIM = 64


def setup_inputs(seed: int = 0) -> dict:
    key = jax.random.key(seed)
    kx, ke = jax.random.split(key)
    # encoder output latents: [B, Hl, Wl, D] = [16, 32, 32, 64]
    x = jax.random.normal(kx, (16, 32, 32, EMBEDDING_DIM), dtype=jnp.float32)
    # tf.random_uniform_initializer default: uniform in [-0.05, 0.05]
    embeddings = jax.random.uniform(
        ke, (EMBEDDING_DIM, NUM_EMBEDDINGS), dtype=jnp.float32,
        minval=-0.05, maxval=0.05,
    )
    return {"x": x, "embeddings": embeddings}


def reference(x, embeddings):
    d = embeddings.shape[0]
    flattened = x.reshape(-1, d)
    # get_code_indices: squared L2 distance via expanded form
    similarity = flattened @ embeddings
    distances = (
        jnp.sum(flattened ** 2, axis=1, keepdims=True)
        + jnp.sum(embeddings ** 2, axis=0)
        - 2.0 * similarity
    )
    encoding_indices = jnp.argmin(distances, axis=1)
    # one_hot @ embeddings^T is exactly a row-gather from embeddings^T
    quantized = jnp.take(embeddings.T, encoding_indices, axis=0)
    quantized = quantized.reshape(x.shape)
    # VQ losses (added via add_loss in the keras layer)
    commitment_loss = BETA * jnp.mean((jax.lax.stop_gradient(quantized) - x) ** 2)
    codebook_loss = jnp.mean((quantized - jax.lax.stop_gradient(x)) ** 2)
    vq_loss = commitment_loss + codebook_loss
    # straight-through estimator
    quantized_st = x + jax.lax.stop_gradient(quantized - x)
    return quantized_st, vq_loss

if __name__ == "__main__":
    import jax
    _d = setup_inputs()
    print(jax.jit(kernel)(*tuple(_d.values())))

</pallas_src>

<mosaic_0001>
#map = affine_map<(d0, d1) -> (0, 0)>
module attributes {stable_mosaic.version = 14 : i64} {
  func.func @_sc_gather(%arg0: i32, %arg1: i32, %arg2: memref<1024x128xf32, #tpu.memory_space<hbm>>, %arg3: memref<128x128xi32, #tpu.memory_space<hbm>>, %arg4: memref<16384x64xf32, #tpu.memory_space<hbm>>, %arg5: memref<4x128xi32, #tpu.memory_space<vmem>>, %arg6: memref<2x128x128xf32, #tpu.memory_space<vmem>>, %arg7: memref<512x64xf32, #tpu.memory_space<vmem>>, %arg8: memref<!tpu.dma_semaphore, #tpu.memory_space<semaphore_mem>>, %arg9: memref<!tpu.dma_semaphore, #tpu.memory_space<semaphore_mem>>) attributes {dimension_semantics = [#tpu.dimension_semantics<core_parallel>, #tpu.dimension_semantics<subcore_parallel>], iteration_bounds = array<i64: 2, 16>, scalar_prefetch = 0 : i64, scratch_operands = 5 : i64, tpu.core_type = #tpu.core_type<sc_vector_subcore>, window_params = [{transform_indices = #map}, {transform_indices = #map}, {transform_indices = #map}]} {
    %mul3A = arith.constant 2 : i32
    %mul3A_0 = arith.muli %arg1, %mul3A : i32
    %add3A = arith.addi %mul3A_0, %arg0 : i32
    %mul3A_1 = arith.constant 512 : i32
    %mul3A_2 = arith.muli %add3A, %mul3A_1 : i32
    %mul3A_3 = arith.constant 4 : i32
    %mul3A_4 = arith.muli %add3A, %mul3A_3 : i32
    "tpu.region"() ({
      %run_scoped3A = tpu.sem_alloc : memref<!tpu.dma_semaphore, #tpu.memory_space<semaphore_mem>>
      %dma_start3A_126 = arith.constant 0 : i32
      %dma_start3A_127 = tpu.memref_slice %arg3[%mul3A_4, %dma_start3A_126] : memref<128x128xi32, #tpu.memory_space<hbm>> -> memref<4x128xi32, #tpu.memory_space<hbm>>
      %dma_start3A_128 = arith.constant 0 : i32
      %dma_start3A_129 = tpu.memref_slice %arg3[%mul3A_4, %dma_start3A_128] : memref<128x128xi32, #tpu.memory_space<hbm>> -> memref<4x128xi32, #tpu.memory_space<hbm>>
      tpu.enqueue_dma source(%dma_start3A_129 : memref<4x128xi32, #tpu.memory_space<hbm>>) target(%arg5 : memref<4x128xi32, #tpu.memory_space<vmem>>) target_semaphore(%run_scoped3A : memref<!tpu.dma_semaphore, #tpu.memory_space<semaphore_mem>>)
      %dma_wait3A_130 = arith.constant 0 : i32
      %dma_wait3A_131 = tpu.memref_slice %arg3[%mul3A_4, %dma_wait3A_130] : memref<128x128xi32, #tpu.memory_space<hbm>> -> memref<4x128xi32, #tpu.memory_space<hbm>>
      %dma_wait3A_132 = arith.constant 0 : i32
      %dma_wait3A_133 = tpu.memref_slice %arg3[%mul3A_4, %dma_wait3A_132] : memref<128x128xi32, #tpu.memory_space<hbm>> -> memref<4x128xi32, #tpu.memory_space<hbm>>
      tpu.wait_dma2 semaphore(%run_scoped3A : memref<!tpu.dma_semaphore, #tpu.memory_space<semaphore_mem>>) src(%dma_wait3A_133 : memref<4x128xi32, #tpu.memory_space<hbm>>) dst(%arg5 : memref<4x128xi32, #tpu.memory_space<vmem>>)
      tpu.yield
    }) : () -> ()
    %dma_start3A = arith.constant 0 : i32
    %dma_start3A_5 = arith.constant 0 : i32
    %dma_start3A_6 = arith.constant 0 : i32
    %dma_start3A_7 = arith.constant 0 : i32
    %dma_start3A_8 = tpu.memref_slice %arg6[%dma_start3A_5, %dma_start3A_6, %dma_start3A_7] : memref<2x128x128xf32, #tpu.memory_space<vmem>> -> memref<1x128x128xf32, #tpu.memory_space<vmem>>
    %dma_start3A_9 = tpu.memref_squeeze %dma_start3A_8 : memref<1x128x128xf32, #tpu.memory_space<vmem>> -> memref<128x128xf32, #tpu.memory_space<vmem>>
    %dma_start3A_10 = arith.constant 0 : i32
    %dma_start3A_11 = tpu.memref_slice %arg5[%dma_start3A, %dma_start3A_10] : memref<4x128xi32, #tpu.memory_space<vmem>> -> memref<1x128xi32, #tpu.memory_space<vmem>>
    %dma_start3A_12 = tpu.memref_squeeze %dma_start3A_11 : memref<1x128xi32, #tpu.memory_space<vmem>> -> memref<128xi32, #tpu.memory_space<vmem>>
    %dma_start3A_13 = arith.constant 0 : i32
    %dma_start3A_14 = arith.constant 0 : i32
    %dma_start3A_15 = tpu.memref_slice %arg2[%dma_start3A_13, %dma_start3A_14] : memref<1024x128xf32, #tpu.memory_space<hbm>> -> memref<1024x128xf32, #tpu.memory_space<hbm>>
    tpu.enqueue_indirect_dma source(%dma_start3A_15 : memref<1024x128xf32, #tpu.memory_space<hbm>>) target(%dma_start3A_9 : memref<128x128xf32, #tpu.memory_space<vmem>>) offsets(%dma_start3A_12 : memref<128xi32, #tpu.memory_space<vmem>>) semaphore(%arg8 : memref<!tpu.dma_semaphore, #tpu.memory_space<semaphore_mem>>)
    %dma_wait3A = arith.constant 0 : i32
    %dma_wait3A_16 = arith.constant 0 : i32
    %dma_wait3A_17 = arith.constant 0 : i32
    %dma_wait3A_18 = arith.constant 0 : i32
    %dma_wait3A_19 = tpu.memref_slice %arg6[%dma_wait3A_16, %dma_wait3A_17, %dma_wait3A_18] : memref<2x128x128xf32, #tpu.memory_space<vmem>> -> memref<1x128x128xf32, #tpu.memory_space<vmem>>
    %dma_wait3A_20 = tpu.memref_squeeze %dma_wait3A_19 : memref<1x128x128xf32, #tpu.memory_space<vmem>> -> memref<128x128xf32, #tpu.memory_space<vmem>>
    %dma_wait3A_21 = arith.constant 0 : i32
    %dma_wait3A_22 = tpu.memref_slice %arg5[%dma_wait3A, %dma_wait3A_21] : memref<4x128xi32, #tpu.memory_space<vmem>> -> memref<1x128xi32, #tpu.memory_space<vmem>>
    %dma_wait3A_23 = tpu.memref_squeeze %dma_wait3A_22 : memref<1x128xi32, #tpu.memory_space<vmem>> -> memref<128xi32, #tpu.memory_space<vmem>>
    %dma_wait3A_24 = arith.constant 0 : i32
    %dma_wait3A_25 = arith.constant 0 : i32
    %dma_wait3A_26 = tpu.memref_slice %arg2[%dma_wait3A_24, %dma_wait3A_25] : memref<1024x128xf32, #tpu.memory_space<hbm>> -> memref<1024x128xf32, #tpu.memory_space<hbm>>
    tpu.wait_indirect_dma semaphore(%arg8 : memref<!tpu.dma_semaphore, #tpu.memory_space<semaphore_mem>>) src(%dma_wait3A_26 : memref<1024x128xf32, #tpu.memory_space<hbm>>) dst(%dma_wait3A_20 : memref<128x128xf32, #tpu.memory_space<vmem>>)
    %dma_start3A_27 = arith.constant 1 : i32
    %dma_start3A_28 = arith.constant 1 : i32
    %dma_start3A_29 = arith.constant 0 : i32
    %dma_start3A_30 = arith.constant 0 : i32
    %dma_start3A_31 = tpu.memref_slice %arg6[%dma_start3A_28, %dma_start3A_29, %dma_start3A_30] : memref<2x128x128xf32, #tpu.memory_space<vmem>> -> memref<1x128x128xf32, #tpu.memory_space<vmem>>
    %dma_start3A_32 = tpu.memref_squeeze %dma_start3A_31 : memref<1x128x128xf32, #tpu.memory_space<vmem>> -> memref<128x128xf32, #tpu.memory_space<vmem>>
    %dma_start3A_33 = arith.constant 0 : i32
    %dma_start3A_34 = tpu.memref_slice %arg5[%dma_start3A_27, %dma_start3A_33] : memref<4x128xi32, #tpu.memory_space<vmem>> -> memref<1x128xi32, #tpu.memory_space<vmem>>
    %dma_start3A_35 = tpu.memref_squeeze %dma_start3A_34 : memref<1x128xi32, #tpu.memory_space<vmem>> -> memref<128xi32, #tpu.memory_space<vmem>>
    %dma_start3A_36 = arith.constant 0 : i32
    %dma_start3A_37 = arith.constant 0 : i32
    %dma_start3A_38 = tpu.memref_slice %arg2[%dma_start3A_36, %dma_start3A_37] : memref<1024x128xf32, #tpu.memory_space<hbm>> -> memref<1024x128xf32, #tpu.memory_space<hbm>>
    tpu.enqueue_indirect_dma source(%dma_start3A_38 : memref<1024x128xf32, #tpu.memory_space<hbm>>) target(%dma_start3A_32 : memref<128x128xf32, #tpu.memory_space<vmem>>) offsets(%dma_start3A_35 : memref<128xi32, #tpu.memory_space<vmem>>) semaphore(%arg9 : memref<!tpu.dma_semaphore, #tpu.memory_space<semaphore_mem>>)
    %scan3A = arith.constant 0 : i32
    %scan3A_39 = arith.constant 0 : i32
    %scan3A_40 = arith.constant 128 : i32
    %scan3A_41 = arith.addi %scan3A_39, %scan3A_40 : i32
    %scan3A_42 = arith.constant 1 : i32
    %scan3A_43 = scf.for %scan3A_126 = %scan3A_39 to %scan3A_41 step %scan3A_42 iter_args(%scan3A_127 = %scan3A) -> (i32)  : i32 {
      %get3A = arith.constant 0 : i32
      %get3A_128 = arith.index_cast %get3A : i32 to index
      %get3A_129 = arith.index_cast %scan3A_126 : i32 to index
      %get3A_130 = arith.constant 0 : index
      %get3A_131 = tpu.vector_load %arg6[%get3A_128, %get3A_129, %get3A_130] {strides = array<i32>} : memref<2x128x128xf32, #tpu.memory_space<vmem>>, vector<1x1x16xf32>,
      %get3A_132 = vector.shape_cast %get3A_131 : vector<1x1x16xf32> to vector<16xf32>
      %add3A_133 = arith.constant 0 : i32
      %add3A_134 = arith.addi %add3A_133, %scan3A_126 : i32
      %swap3A = arith.index_cast %add3A_134 : i32 to index
      %swap3A_135 = arith.constant 0 : index
      %swap3A_136 = tpu.vector_load %arg7[%swap3A, %swap3A_135] {strides = array<i32>} : memref<512x64xf32, #tpu.memory_space<vmem>>, vector<1x16xf32>,
      %swap3A_137 = vector.shape_cast %swap3A_136 : vector<1x16xf32> to vector<16xf32>
      %swap3A_138 = vector.shape_cast %get3A_132 : vector<16xf32> to vector<1x16xf32>
      tpu.vector_store %arg7[%swap3A, %swap3A_135], %swap3A_138 {strides = array<i32>} : memref<512x64xf32, #tpu.memory_space<vmem>>, vector<1x16xf32>,
      %get3A_139 = arith.constant 0 : i32
      %get3A_140 = arith.index_cast %get3A_139 : i32 to index
      %get3A_141 = arith.index_cast %scan3A_126 : i32 to index
      %get3A_142 = arith.constant 16 : index
      %get3A_143 = tpu.vector_load %arg6[%get3A_140, %get3A_141, %get3A_142] {strides = array<i32>} : memref<2x128x128xf32, #tpu.memory_space<vmem>>, vector<1x1x16xf32>,
      %get3A_144 = vector.shape_cast %get3A_143 : vector<1x1x16xf32> to vector<16xf32>
      %add3A_145 = arith.constant 0 : i32
      %add3A_146 = arith.addi %add3A_145, %scan3A_126 : i32
      %swap3A_147 = arith.index_cast %add3A_146 : i32 to index
      %swap3A_148 = arith.constant 16 : index
      %swap3A_149 = tpu.vector_load %arg7[%swap3A_147, %swap3A_148] {strides = array<i32>} : memref<512x64xf32, #tpu.memory_space<vmem>>, vector<1x16xf32>,
      %swap3A_150 = vector.shape_cast %swap3A_149 : vector<1x16xf32> to vector<16xf32>
      %swap3A_151 = vector.shape_cast %get3A_144 : vector<16xf32> to vector<1x16xf32>
      tpu.vector_store %arg7[%swap3A_147, %swap3A_148], %swap3A_151 {strides = array<i32>} : memref<512x64xf32, #tpu.memory_space<vmem>>, vector<1x16xf32>,
      %get3A_152 = arith.constant 0 : i32
      %get3A_153 = arith.index_cast %get3A_152 : i32 to index
      %get3A_154 = arith.index_cast %scan3A_126 : i32 to index
      %get3A_155 = arith.constant 32 : index
      %get3A_156 = tpu.vector_load %arg6[%get3A_153, %get3A_154, %get3A_155] {strides = array<i32>} : memref<2x128x128xf32, #tpu.memory_space<vmem>>, vector<1x1x16xf32>,
      %get3A_157 = vector.shape_cast %get3A_156 : vector<1x1x16xf32> to vector<16xf32>
      %add3A_158 = arith.constant 0 : i32
      %add3A_159 = arith.addi %add3A_158, %scan3A_126 : i32
      %swap3A_160 = arith.index_cast %add3A_159 : i32 to index
      %swap3A_161 = arith.constant 32 : index
      %swap3A_162 = tpu.vector_load %arg7[%swap3A_160, %swap3A_161] {strides = array<i32>} : memref<512x64xf32, #tpu.memory_space<vmem>>, vector<1x16xf32>,
      %swap3A_163 = vector.shape_cast %swap3A_162 : vector<1x16xf32> to vector<16xf32>
      %swap3A_164 = vector.shape_cast %get3A_157 : vector<16xf32> to vector<1x16xf32>
      tpu.vector_store %arg7[%swap3A_160, %swap3A_161], %swap3A_164 {strides = array<i32>} : memref<512x64xf32, #tpu.memory_space<vmem>>, vector<1x16xf32>,
      %get3A_165 = arith.constant 0 : i32
      %get3A_166 = arith.index_cast %get3A_165 : i32 to index
      %get3A_167 = arith.index_cast %scan3A_126 : i32 to index
      %get3A_168 = arith.constant 48 : index
      %get3A_169 = tpu.vector_load %arg6[%get3A_166, %get3A_167, %get3A_168] {strides = array<i32>} : memref<2x128x128xf32, #tpu.memory_space<vmem>>, vector<1x1x16xf32>,
      %get3A_170 = vector.shape_cast %get3A_169 : vector<1x1x16xf32> to vector<16xf32>
      %add3A_171 = arith.constant 0 : i32
      %add3A_172 = arith.addi %add3A_171, %scan3A_126 : i32
      %swap3A_173 = arith.index_cast %add3A_172 : i32 to index
      %swap3A_174 = arith.constant 48 : index
      %swap3A_175 = tpu.vector_load %arg7[%swap3A_173, %swap3A_174] {strides = array<i32>} : memref<512x64xf32, #tpu.memory_space<vmem>>, vector<1x16xf32>,
      %swap3A_176 = vector.shape_cast %swap3A_175 : vector<1x16xf32> to vector<16xf32>
      %swap3A_177 = vector.shape_cast %get3A_170 : vector<16xf32> to vector<1x16xf32>
      tpu.vector_store %arg7[%swap3A_173, %swap3A_174], %swap3A_177 {strides = array<i32>} : memref<512x64xf32, #tpu.memory_space<vmem>>, vector<1x16xf32>,
      %scan3A_178 = arith.constant 0 : i32
      scf.yield %scan3A_178 : i32
    }
    %scan3A_44 = arith.constant 128 : i32
    %dma_wait3A_45 = arith.constant 1 : i32
    %dma_wait3A_46 = arith.constant 1 : i32
    %dma_wait3A_47 = arith.constant 0 : i32
    %dma_wait3A_48 = arith.constant 0 : i32
    %dma_wait3A_49 = tpu.memref_slice %arg6[%dma_wait3A_46, %dma_wait3A_47, %dma_wait3A_48] : memref<2x128x128xf32, #tpu.memory_space<vmem>> -> memref<1x128x128xf32, #tpu.memory_space<vmem>>
    %dma_wait3A_50 = tpu.memref_squeeze %dma_wait3A_49 : memref<1x128x128xf32, #tpu.memory_space<vmem>> -> memref<128x128xf32, #tpu.memory_space<vmem>>
    %dma_wait3A_51 = arith.constant 0 : i32
    %dma_wait3A_52 = tpu.memref_slice %arg5[%dma_wait3A_45, %dma_wait3A_51] : memref<4x128xi32, #tpu.memory_space<vmem>> -> memref<1x128xi32, #tpu.memory_space<vmem>>
    %dma_wait3A_53 = tpu.memref_squeeze %dma_wait3A_52 : memref<1x128xi32, #tpu.memory_space<vmem>> -> memref<128xi32, #tpu.memory_space<vmem>>
    %dma_wait3A_54 = arith.constant 0 : i32
    %dma_wait3A_55 = arith.constant 0 : i32
    %dma_wait3A_56 = tpu.memref_slice %arg2[%dma_wait3A_54, %dma_wait3A_55] : memref<1024x128xf32, #tpu.memory_space<hbm>> -> memref<1024x128xf32, #tpu.memory_space<hbm>>
    tpu.wait_indirect_dma semaphore(%arg9 : memref<!tpu.dma_semaphore, #tpu.memory_space<semaphore_mem>>) src(%dma_wait3A_56 : memref<1024x128xf32, #tpu.memory_space<hbm>>) dst(%dma_wait3A_50 : memref<128x128xf32, #tpu.memory_space<vmem>>)
    %dma_start3A_57 = arith.constant 2 : i32
    %dma_start3A_58 = arith.constant 0 : i32
    %dma_start3A_59 = arith.constant 0 : i32
    %dma_start3A_60 = arith.constant 0 : i32
    %dma_start3A_61 = tpu.memref_slice %arg6[%dma_start3A_58, %dma_start3A_59, %dma_start3A_60] : memref<2x128x128xf32, #tpu.memory_space<vmem>> -> memref<1x128x128xf32, #tpu.memory_space<vmem>>
    %dma_start3A_62 = tpu.memref_squeeze %dma_start3A_61 : memref<1x128x128xf32, #tpu.memory_space<vmem>> -> memref<128x128xf32, #tpu.memory_space<vmem>>
    %dma_start3A_63 = arith.constant 0 : i32
    %dma_start3A_64 = tpu.memref_slice %arg5[%dma_start3A_57, %dma_start3A_63] : memref<4x128xi32, #tpu.memory_space<vmem>> -> memref<1x128xi32, #tpu.memory_space<vmem>>
    %dma_start3A_65 = tpu.memref_squeeze %dma_start3A_64 : memref<1x128xi32, #tpu.memory_space<vmem>> -> memref<128xi32, #tpu.memory_space<vmem>>
    %dma_start3A_66 = arith.constant 0 : i32
    %dma_start3A_67 = arith.constant 0 : i32
    %dma_start3A_68 = tpu.memref_slice %arg2[%dma_start3A_66, %dma_start3A_67] : memref<1024x128xf32, #tpu.memory_space<hbm>> -> memref<1024x128xf32, #tpu.memory_space<hbm>>
    tpu.enqueue_indirect_dma source(%dma_start3A_68 : memref<1024x128xf32, #tpu.memory_space<hbm>>) target(%dma_start3A_62 : memref<128x128xf32, #tpu.memory_space<vmem>>) offsets(%dma_start3A_65 : memref<128xi32, #tpu.memory_space<vmem>>) semaphore(%arg8 : memref<!tpu.dma_semaphore, #tpu.memory_space<semaphore_mem>>)
    %scan3A_69 = arith.constant 0 : i32
    %scan3A_70 = arith.constant 0 : i32
    %scan3A_71 = arith.constant 128 : i32
    %scan3A_72 = arith.addi %scan3A_70, %scan3A_71 : i32
    %scan3A_73 = arith.constant 1 : i32
    %scan3A_74 = scf.for %scan3A_126 = %scan3A_70 to %scan3A_72 step %scan3A_73 iter_args(%scan3A_127 = %scan3A_69) -> (i32)  : i32 {
      %get3A = arith.constant 1 : i32
      %get3A_128 = arith.index_cast %get3A : i32 to index
      %get3A_129 = arith.index_cast %scan3A_126 : i32 to index
      %get3A_130 = arith.constant 0 : index
      %get3A_131 = tpu.vector_load %arg6[%get3A_128, %get3A_129, %get3A_130] {strides = array<i32>} : memref<2x128x128xf32, #tpu.memory_space<vmem>>, vector<1x1x16xf32>,
      %get3A_132 = vector.shape_cast %get3A_131 : vector<1x1x16xf32> to vector<16xf32>
      %add3A_133 = arith.constant 128 : i32
      %add3A_134 = arith.addi %add3A_133, %scan3A_126 : i32
      %swap3A = arith.index_cast %add3A_134 : i32 to index
      %swap3A_135 = arith.constant 0 : index
      %swap3A_136 = tpu.vector_load %arg7[%swap3A, %swap3A_135] {strides = array<i32>} : memref<512x64xf32, #tpu.memory_space<vmem>>, vector<1x16xf32>,
      %swap3A_137 = vector.shape_cast %swap3A_136 : vector<1x16xf32> to vector<16xf32>
      %swap3A_138 = vector.shape_cast %get3A_132 : vector<16xf32> to vector<1x16xf32>
      tpu.vector_store %arg7[%swap3A, %swap3A_135], %swap3A_138 {strides = array<i32>} : memref<512x64xf32, #tpu.memory_space<vmem>>, vector<1x16xf32>,
      %get3A_139 = arith.constant 1 : i32
      %get3A_140 = arith.index_cast %get3A_139 : i32 to index
      %get3A_141 = arith.index_cast %scan3A_126 : i32 to index
      %get3A_142 = arith.constant 16 : index
      %get3A_143 = tpu.vector_load %arg6[%get3A_140, %get3A_141, %get3A_142] {strides = array<i32>} : memref<2x128x128xf32, #tpu.memory_space<vmem>>, vector<1x1x16xf32>,
      %get3A_144 = vector.shape_cast %get3A_143 : vector<1x1x16xf32> to vector<16xf32>
      %add3A_145 = arith.constant 128 : i32
      %add3A_146 = arith.addi %add3A_145, %scan3A_126 : i32
      %swap3A_147 = arith.index_cast %add3A_146 : i32 to index
      %swap3A_148 = arith.constant 16 : index
      %swap3A_149 = tpu.vector_load %arg7[%swap3A_147, %swap3A_148] {strides = array<i32>} : memref<512x64xf32, #tpu.memory_space<vmem>>, vector<1x16xf32>,
      %swap3A_150 = vector.shape_cast %swap3A_149 : vector<1x16xf32> to vector<16xf32>
      %swap3A_151 = vector.shape_cast %get3A_144 : vector<16xf32> to vector<1x16xf32>
      tpu.vector_store %arg7[%swap3A_147, %swap3A_148], %swap3A_151 {strides = array<i32>} : memref<512x64xf32, #tpu.memory_space<vmem>>, vector<1x16xf32>,
      %get3A_152 = arith.constant 1 : i32
      %get3A_153 = arith.index_cast %get3A_152 : i32 to index
      %get3A_154 = arith.index_cast %scan3A_126 : i32 to index
      %get3A_155 = arith.constant 32 : index
      %get3A_156 = tpu.vector_load %arg6[%get3A_153, %get3A_154, %get3A_155] {strides = array<i32>} : memref<2x128x128xf32, #tpu.memory_space<vmem>>, vector<1x1x16xf32>,
      %get3A_157 = vector.shape_cast %get3A_156 : vector<1x1x16xf32> to vector<16xf32>
      %add3A_158 = arith.constant 128 : i32
      %add3A_159 = arith.addi %add3A_158, %scan3A_126 : i32
      %swap3A_160 = arith.index_cast %add3A_159 : i32 to index
      %swap3A_161 = arith.constant 32 : index
      %swap3A_162 = tpu.vector_load %arg7[%swap3A_160, %swap3A_161] {strides = array<i32>} : memref<512x64xf32, #tpu.memory_space<vmem>>, vector<1x16xf32>,
      %swap3A_163 = vector.shape_cast %swap3A_162 : vector<1x16xf32> to vector<16xf32>
      %swap3A_164 = vector.shape_cast %get3A_157 : vector<16xf32> to vector<1x16xf32>
      tpu.vector_store %arg7[%swap3A_160, %swap3A_161], %swap3A_164 {strides = array<i32>} : memref<512x64xf32, #tpu.memory_space<vmem>>, vector<1x16xf32>,
      %get3A_165 = arith.constant 1 : i32
      %get3A_166 = arith.index_cast %get3A_165 : i32 to index
      %get3A_167 = arith.index_cast %scan3A_126 : i32 to index
      %get3A_168 = arith.constant 48 : index
      %get3A_169 = tpu.vector_load %arg6[%get3A_166, %get3A_167, %get3A_168] {strides = array<i32>} : memref<2x128x128xf32, #tpu.memory_space<vmem>>, vector<1x1x16xf32>,
      %get3A_170 = vector.shape_cast %get3A_169 : vector<1x1x16xf32> to vector<16xf32>
      %add3A_171 = arith.constant 128 : i32
      %add3A_172 = arith.addi %add3A_171, %scan3A_126 : i32
      %swap3A_173 = arith.index_cast %add3A_172 : i32 to index
      %swap3A_174 = arith.constant 48 : index
      %swap3A_175 = tpu.vector_load %arg7[%swap3A_173, %swap3A_174] {strides = array<i32>} : memref<512x64xf32, #tpu.memory_space<vmem>>, vector<1x16xf32>,
      %swap3A_176 = vector.shape_cast %swap3A_175 : vector<1x16xf32> to vector<16xf32>
      %swap3A_177 = vector.shape_cast %get3A_170 : vector<16xf32> to vector<1x16xf32>
      tpu.vector_store %arg7[%swap3A_173, %swap3A_174], %swap3A_177 {strides = array<i32>} : memref<512x64xf32, #tpu.memory_space<vmem>>, vector<1x16xf32>,
      %scan3A_178 = arith.constant 0 : i32
      scf.yield %scan3A_178 : i32
    }
    %scan3A_75 = arith.constant 128 : i32
    %dma_wait3A_76 = arith.constant 2 : i32
    %dma_wait3A_77 = arith.constant 0 : i32
    %dma_wait3A_78 = arith.constant 0 : i32
    %dma_wait3A_79 = arith.constant 0 : i32
    %dma_wait3A_80 = tpu.memref_slice %arg6[%dma_wait3A_77, %dma_wait3A_78, %dma_wait3A_79] : memref<2x128x128xf32, #tpu.memory_space<vmem>> -> memref<1x128x128xf32, #tpu.memory_space<vmem>>
    %dma_wait3A_81 = tpu.memref_squeeze %dma_wait3A_80 : memref<1x128x128xf32, #tpu.memory_space<vmem>> -> memref<128x128xf32, #tpu.memory_space<vmem>>
    %dma_wait3A_82 = arith.constant 0 : i32
    %dma_wait3A_83 = tpu.memref_slice %arg5[%dma_wait3A_76, %dma_wait3A_82] : memref<4x128xi32, #tpu.memory_space<vmem>> -> memref<1x128xi32, #tpu.memory_space<vmem>>
    %dma_wait3A_84 = tpu.memref_squeeze %dma_wait3A_83 : memref<1x128xi32, #tpu.memory_space<vmem>> -> memref<128xi32, #tpu.memory_space<vmem>>
    %dma_wait3A_85 = arith.constant 0 : i32
    %dma_wait3A_86 = arith.constant 0 : i32
    %dma_wait3A_87 = tpu.memref_slice %arg2[%dma_wait3A_85, %dma_wait3A_86] : memref<1024x128xf32, #tpu.memory_space<hbm>> -> memref<1024x128xf32, #tpu.memory_space<hbm>>
    tpu.wait_indirect_dma semaphore(%arg8 : memref<!tpu.dma_semaphore, #tpu.memory_space<semaphore_mem>>) src(%dma_wait3A_87 : memref<1024x128xf32, #tpu.memory_space<hbm>>) dst(%dma_wait3A_81 : memref<128x128xf32, #tpu.memory_space<vmem>>)
    %dma_start3A_88 = arith.constant 3 : i32
    %dma_start3A_89 = arith.constant 1 : i32
    %dma_start3A_90 = arith.constant 0 : i32
    %dma_start3A_91 = arith.constant 0 : i32
    %dma_start3A_92 = tpu.memref_slice %arg6[%dma_start3A_89, %dma_start3A_90, %dma_start3A_91] : memref<2x128x128xf32, #tpu.memory_space<vmem>> -> memref<1x128x128xf32, #tpu.memory_space<vmem>>
    %dma_start3A_93 = tpu.memref_squeeze %dma_start3A_92 : memref<1x128x128xf32, #tpu.memory_space<vmem>> -> memref<128x128xf32, #tpu.memory_space<vmem>>
    %dma_start3A_94 = arith.constant 0 : i32
    %dma_start3A_95 = tpu.memref_slice %arg5[%dma_start3A_88, %dma_start3A_94] : memref<4x128xi32, #tpu.memory_space<vmem>> -> memref<1x128xi32, #tpu.memory_space<vmem>>
    %dma_start3A_96 = tpu.memref_squeeze %dma_start3A_95 : memref<1x128xi32, #tpu.memory_space<vmem>> -> memref<128xi32, #tpu.memory_space<vmem>>
    %dma_start3A_97 = arith.constant 0 : i32
    %dma_start3A_98 = arith.constant 0 : i32
    %dma_start3A_99 = tpu.memref_slice %arg2[%dma_start3A_97, %dma_start3A_98] : memref<1024x128xf32, #tpu.memory_space<hbm>> -> memref<1024x128xf32, #tpu.memory_space<hbm>>
    tpu.enqueue_indirect_dma source(%dma_start3A_99 : memref<1024x128xf32, #tpu.memory_space<hbm>>) target(%dma_start3A_93 : memref<128x128xf32, #tpu.memory_space<vmem>>) offsets(%dma_start3A_96 : memref<128xi32, #tpu.memory_space<vmem>>) semaphore(%arg9 : memref<!tpu.dma_semaphore, #tpu.memory_space<semaphore_mem>>)
    %scan3A_100 = arith.constant 0 : i32
    %scan3A_101 = arith.constant 0 : i32
    %scan3A_102 = arith.constant 128 : i32
    %scan3A_103 = arith.addi %scan3A_101, %scan3A_102 : i32
    %scan3A_104 = arith.constant 1 : i32
    %scan3A_105 = scf.for %scan3A_126 = %scan3A_101 to %scan3A_103 step %scan3A_104 iter_args(%scan3A_127 = %scan3A_100) -> (i32)  : i32 {
      %get3A = arith.constant 0 : i32
      %get3A_128 = arith.index_cast %get3A : i32 to index
      %get3A_129 = arith.index_cast %scan3A_126 : i32 to index
      %get3A_130 = arith.constant 0 : index
      %get3A_131 = tpu.vector_load %arg6[%get3A_128, %get3A_129, %get3A_130] {strides = array<i32>} : memref<2x128x128xf32, #tpu.memory_space<vmem>>, vector<1x1x16xf32>,
      %get3A_132 = vector.shape_cast %get3A_131 : vector<1x1x16xf32> to vector<16xf32>
      %add3A_133 = arith.constant 256 : i32
      %add3A_134 = arith.addi %add3A_133, %scan3A_126 : i32
      %swap3A = arith.index_cast %add3A_134 : i32 to index
      %swap3A_135 = arith.constant 0 : index
      %swap3A_136 = tpu.vector_load %arg7[%swap3A, %swap3A_135] {strides = array<i32>} : memref<512x64xf32, #tpu.memory_space<vmem>>, vector<1x16xf32>,
      %swap3A_137 = vector.shape_cast %swap3A_136 : vector<1x16xf32> to vector<16xf32>
      %swap3A_138 = vector.shape_cast %get3A_132 : vector<16xf32> to vector<1x16xf32>
      tpu.vector_store %arg7[%swap3A, %swap3A_135], %swap3A_138 {strides = array<i32>} : memref<512x64xf32, #tpu.memory_space<vmem>>, vector<1x16xf32>,
      %get3A_139 = arith.constant 0 : i32
      %get3A_140 = arith.index_cast %get3A_139 : i32 to index
      %get3A_141 = arith.index_cast %scan3A_126 : i32 to index
      %get3A_142 = arith.constant 16 : index
      %get3A_143 = tpu.vector_load %arg6[%get3A_140, %get3A_141, %get3A_142] {strides = array<i32>} : memref<2x128x128xf32, #tpu.memory_space<vmem>>, vector<1x1x16xf32>,
      %get3A_144 = vector.shape_cast %get3A_143 : vector<1x1x16xf32> to vector<16xf32>
      %add3A_145 = arith.constant 256 : i32
      %add3A_146 = arith.addi %add3A_145, %scan3A_126 : i32
      %swap3A_147 = arith.index_cast %add3A_146 : i32 to index
      %swap3A_148 = arith.constant 16 : index
      %swap3A_149 = tpu.vector_load %arg7[%swap3A_147, %swap3A_148] {strides = array<i32>} : memref<512x64xf32, #tpu.memory_space<vmem>>, vector<1x16xf32>,
      %swap3A_150 = vector.shape_cast %swap3A_149 : vector<1x16xf32> to vector<16xf32>
      %swap3A_151 = vector.shape_cast %get3A_144 : vector<16xf32> to vector<1x16xf32>
      tpu.vector_store %arg7[%swap3A_147, %swap3A_148], %swap3A_151 {strides = array<i32>} : memref<512x64xf32, #tpu.memory_space<vmem>>, vector<1x16xf32>,
      %get3A_152 = arith.constant 0 : i32
      %get3A_153 = arith.index_cast %get3A_152 : i32 to index
      %get3A_154 = arith.index_cast %scan3A_126 : i32 to index
      %get3A_155 = arith.constant 32 : index
      %get3A_156 = tpu.vector_load %arg6[%get3A_153, %get3A_154, %get3A_155] {strides = array<i32>} : memref<2x128x128xf32, #tpu.memory_space<vmem>>, vector<1x1x16xf32>,
      %get3A_157 = vector.shape_cast %get3A_156 : vector<1x1x16xf32> to vector<16xf32>
      %add3A_158 = arith.constant 256 : i32
      %add3A_159 = arith.addi %add3A_158, %scan3A_126 : i32
      %swap3A_160 = arith.index_cast %add3A_159 : i32 to index
      %swap3A_161 = arith.constant 32 : index
      %swap3A_162 = tpu.vector_load %arg7[%swap3A_160, %swap3A_161] {strides = array<i32>} : memref<512x64xf32, #tpu.memory_space<vmem>>, vector<1x16xf32>,
      %swap3A_163 = vector.shape_cast %swap3A_162 : vector<1x16xf32> to vector<16xf32>
      %swap3A_164 = vector.shape_cast %get3A_157 : vector<16xf32> to vector<1x16xf32>
      tpu.vector_store %arg7[%swap3A_160, %swap3A_161], %swap3A_164 {strides = array<i32>} : memref<512x64xf32, #tpu.memory_space<vmem>>, vector<1x16xf32>,
      %get3A_165 = arith.constant 0 : i32
      %get3A_166 = arith.index_cast %get3A_165 : i32 to index
      %get3A_167 = arith.index_cast %scan3A_126 : i32 to index
      %get3A_168 = arith.constant 48 : index
      %get3A_169 = tpu.vector_load %arg6[%get3A_166, %get3A_167, %get3A_168] {strides = array<i32>} : memref<2x128x128xf32, #tpu.memory_space<vmem>>, vector<1x1x16xf32>,
      %get3A_170 = vector.shape_cast %get3A_169 : vector<1x1x16xf32> to vector<16xf32>
      %add3A_171 = arith.constant 256 : i32
      %add3A_172 = arith.addi %add3A_171, %scan3A_126 : i32
      %swap3A_173 = arith.index_cast %add3A_172 : i32 to index
      %swap3A_174 = arith.constant 48 : index
      %swap3A_175 = tpu.vector_load %arg7[%swap3A_173, %swap3A_174] {strides = array<i32>} : memref<512x64xf32, #tpu.memory_space<vmem>>, vector<1x16xf32>,
      %swap3A_176 = vector.shape_cast %swap3A_175 : vector<1x16xf32> to vector<16xf32>
      %swap3A_177 = vector.shape_cast %get3A_170 : vector<16xf32> to vector<1x16xf32>
      tpu.vector_store %arg7[%swap3A_173, %swap3A_174], %swap3A_177 {strides = array<i32>} : memref<512x64xf32, #tpu.memory_space<vmem>>, vector<1x16xf32>,
      %scan3A_178 = arith.constant 0 : i32
      scf.yield %scan3A_178 : i32
    }
    %scan3A_106 = arith.constant 128 : i32
    %dma_wait3A_107 = arith.constant 3 : i32
    %dma_wait3A_108 = arith.constant 1 : i32
    %dma_wait3A_109 = arith.constant 0 : i32
    %dma_wait3A_110 = arith.constant 0 : i32
    %dma_wait3A_111 = tpu.memref_slice %arg6[%dma_wait3A_108, %dma_wait3A_109, %dma_wait3A_110] : memref<2x128x128xf32, #tpu.memory_space<vmem>> -> memref<1x128x128xf32, #tpu.memory_space<vmem>>
    %dma_wait3A_112 = tpu.memref_squeeze %dma_wait3A_111 : memref<1x128x128xf32, #tpu.memory_space<vmem>> -> memref<128x128xf32, #tpu.memory_space<vmem>>
    %dma_wait3A_113 = arith.constant 0 : i32
    %dma_wait3A_114 = tpu.memref_slice %arg5[%dma_wait3A_107, %dma_wait3A_113] : memref<4x128xi32, #tpu.memory_space<vmem>> -> memref<1x128xi32, #tpu.memory_space<vmem>>
    %dma_wait3A_115 = tpu.memref_squeeze %dma_wait3A_114 : memref<1x128xi32, #tpu.memory_space<vmem>> -> memref<128xi32, #tpu.memory_space<vmem>>
    %dma_wait3A_116 = arith.constant 0 : i32
    %dma_wait3A_117 = arith.constant 0 : i32
    %dma_wait3A_118 = tpu.memref_slice %arg2[%dma_wait3A_116, %dma_wait3A_117] : memref<1024x128xf32, #tpu.memory_space<hbm>> -> memref<1024x128xf32, #tpu.memory_space<hbm>>
    tpu.wait_indirect_dma semaphore(%arg9 : memref<!tpu.dma_semaphore, #tpu.memory_space<semaphore_mem>>) src(%dma_wait3A_118 : memref<1024x128xf32, #tpu.memory_space<hbm>>) dst(%dma_wait3A_112 : memref<128x128xf32, #tpu.memory_space<vmem>>)
    %scan3A_119 = arith.constant 0 : i32
    %scan3A_120 = arith.constant 0 : i32
    %scan3A_121 = arith.constant 128 : i32
    %scan3A_122 = arith.addi %scan3A_120, %scan3A_121 : i32
    %scan3A_123 = arith.constant 1 : i32
    %scan3A_124 = scf.for %scan3A_126 = %scan3A_120 to %scan3A_122 step %scan3A_123 iter_args(%scan3A_127 = %scan3A_119) -> (i32)  : i32 {
      %get3A = arith.constant 1 : i32
      %get3A_128 = arith.index_cast %get3A : i32 to index
      %get3A_129 = arith.index_cast %scan3A_126 : i32 to index
      %get3A_130 = arith.constant 0 : index
      %get3A_131 = tpu.vector_load %arg6[%get3A_128, %get3A_129, %get3A_130] {strides = array<i32>} : memref<2x128x128xf32, #tpu.memory_space<vmem>>, vector<1x1x16xf32>,
      %get3A_132 = vector.shape_cast %get3A_131 : vector<1x1x16xf32> to vector<16xf32>
      %add3A_133 = arith.constant 384 : i32
      %add3A_134 = arith.addi %add3A_133, %scan3A_126 : i32
      %swap3A = arith.index_cast %add3A_134 : i32 to index
      %swap3A_135 = arith.constant 0 : index
      %swap3A_136 = tpu.vector_load %arg7[%swap3A, %swap3A_135] {strides = array<i32>} : memref<512x64xf32, #tpu.memory_space<vmem>>, vector<1x16xf32>,
      %swap3A_137 = vector.shape_cast %swap3A_136 : vector<1x16xf32> to vector<16xf32>
      %swap3A_138 = vector.shape_cast %get3A_132 : vector<16xf32> to vector<1x16xf32>
      tpu.vector_store %arg7[%swap3A, %swap3A_135], %swap3A_138 {strides = array<i32>} : memref<512x64xf32, #tpu.memory_space<vmem>>, vector<1x16xf32>,
      %get3A_139 = arith.constant 1 : i32
      %get3A_140 = arith.index_cast %get3A_139 : i32 to index
      %get3A_141 = arith.index_cast %scan3A_126 : i32 to index
      %get3A_142 = arith.constant 16 : index
      %get3A_143 = tpu.vector_load %arg6[%get3A_140, %get3A_141, %get3A_142] {strides = array<i32>} : memref<2x128x128xf32, #tpu.memory_space<vmem>>, vector<1x1x16xf32>,
      %get3A_144 = vector.shape_cast %get3A_143 : vector<1x1x16xf32> to vector<16xf32>
      %add3A_145 = arith.constant 384 : i32
      %add3A_146 = arith.addi %add3A_145, %scan3A_126 : i32
      %swap3A_147 = arith.index_cast %add3A_146 : i32 to index
      %swap3A_148 = arith.constant 16 : index
      %swap3A_149 = tpu.vector_load %arg7[%swap3A_147, %swap3A_148] {strides = array<i32>} : memref<512x64xf32, #tpu.memory_space<vmem>>, vector<1x16xf32>,
      %swap3A_150 = vector.shape_cast %swap3A_149 : vector<1x16xf32> to vector<16xf32>
      %swap3A_151 = vector.shape_cast %get3A_144 : vector<16xf32> to vector<1x16xf32>
      tpu.vector_store %arg7[%swap3A_147, %swap3A_148], %swap3A_151 {strides = array<i32>} : memref<512x64xf32, #tpu.memory_space<vmem>>, vector<1x16xf32>,
      %get3A_152 = arith.constant 1 : i32
      %get3A_153 = arith.index_cast %get3A_152 : i32 to index
      %get3A_154 = arith.index_cast %scan3A_126 : i32 to index
      %get3A_155 = arith.constant 32 : index
      %get3A_156 = tpu.vector_load %arg6[%get3A_153, %get3A_154, %get3A_155] {strides = array<i32>} : memref<2x128x128xf32, #tpu.memory_space<vmem>>, vector<1x1x16xf32>,
      %get3A_157 = vector.shape_cast %get3A_156 : vector<1x1x16xf32> to vector<16xf32>
      %add3A_158 = arith.constant 384 : i32
      %add3A_159 = arith.addi %add3A_158, %scan3A_126 : i32
      %swap3A_160 = arith.index_cast %add3A_159 : i32 to index
      %swap3A_161 = arith.constant 32 : index
      %swap3A_162 = tpu.vector_load %arg7[%swap3A_160, %swap3A_161] {strides = array<i32>} : memref<512x64xf32, #tpu.memory_space<vmem>>, vector<1x16xf32>,
      %swap3A_163 = vector.shape_cast %swap3A_162 : vector<1x16xf32> to vector<16xf32>
      %swap3A_164 = vector.shape_cast %get3A_157 : vector<16xf32> to vector<1x16xf32>
      tpu.vector_store %arg7[%swap3A_160, %swap3A_161], %swap3A_164 {strides = array<i32>} : memref<512x64xf32, #tpu.memory_space<vmem>>, vector<1x16xf32>,
      %get3A_165 = arith.constant 1 : i32
      %get3A_166 = arith.index_cast %get3A_165 : i32 to index
      %get3A_167 = arith.index_cast %scan3A_126 : i32 to index
      %get3A_168 = arith.constant 48 : index
      %get3A_169 = tpu.vector_load %arg6[%get3A_166, %get3A_167, %get3A_168] {strides = array<i32>} : memref<2x128x128xf32, #tpu.memory_space<vmem>>, vector<1x1x16xf32>,
      %get3A_170 = vector.shape_cast %get3A_169 : vector<1x1x16xf32> to vector<16xf32>
      %add3A_171 = arith.constant 384 : i32
      %add3A_172 = arith.addi %add3A_171, %scan3A_126 : i32
      %swap3A_173 = arith.index_cast %add3A_172 : i32 to index
      %swap3A_174 = arith.constant 48 : index
      %swap3A_175 = tpu.vector_load %arg7[%swap3A_173, %swap3A_174] {strides = array<i32>} : memref<512x64xf32, #tpu.memory_space<vmem>>, vector<1x16xf32>,
      %swap3A_176 = vector.shape_cast %swap3A_175 : vector<1x16xf32> to vector<16xf32>
      %swap3A_177 = vector.shape_cast %get3A_170 : vector<16xf32> to vector<1x16xf32>
      tpu.vector_store %arg7[%swap3A_173, %swap3A_174], %swap3A_177 {strides = array<i32>} : memref<512x64xf32, #tpu.memory_space<vmem>>, vector<1x16xf32>,
      %scan3A_178 = arith.constant 0 : i32
      scf.yield %scan3A_178 : i32
    }
    %scan3A_125 = arith.constant 128 : i32
    "tpu.region"() ({
      %run_scoped3A = tpu.sem_alloc : memref<!tpu.dma_semaphore, #tpu.memory_space<semaphore_mem>>
      %dma_start3A_126 = arith.constant 0 : i32
      %dma_start3A_127 = tpu.memref_slice %arg4[%mul3A_2, %dma_start3A_126] : memref<16384x64xf32, #tpu.memory_space<hbm>> -> memref<512x64xf32, #tpu.memory_space<hbm>>
      %dma_start3A_128 = arith.constant 0 : i32
      %dma_start3A_129 = tpu.memref_slice %arg4[%mul3A_2, %dma_start3A_128] : memref<16384x64xf32, #tpu.memory_space<hbm>> -> memref<512x64xf32, #tpu.memory_space<hbm>>
      tpu.enqueue_dma source(%arg7 : memref<512x64xf32, #tpu.memory_space<vmem>>) target(%dma_start3A_129 : memref<512x64xf32, #tpu.memory_space<hbm>>) target_semaphore(%run_scoped3A : memref<!tpu.dma_semaphore, #tpu.memory_space<semaphore_mem>>)
      %dma_wait3A_130 = arith.constant 0 : i32
      %dma_wait3A_131 = tpu.memref_slice %arg4[%mul3A_2, %dma_wait3A_130] : memref<16384x64xf32, #tpu.memory_space<hbm>> -> memref<512x64xf32, #tpu.memory_space<hbm>>
      %dma_wait3A_132 = arith.constant 0 : i32
      %dma_wait3A_133 = tpu.memref_slice %arg4[%mul3A_2, %dma_wait3A_132] : memref<16384x64xf32, #tpu.memory_space<hbm>> -> memref<512x64xf32, #tpu.memory_space<hbm>>
      tpu.wait_dma2 semaphore(%run_scoped3A : memref<!tpu.dma_semaphore, #tpu.memory_space<semaphore_mem>>) src(%arg7 : memref<512x64xf32, #tpu.memory_space<vmem>>) dst(%dma_wait3A_133 : memref<512x64xf32, #tpu.memory_space<hbm>>)
      tpu.yield
    }) : () -> ()
    return
  }
}

module attributes {stable_mosaic.version = 14 : i64} {
  func.func @_vq_tc_body(%arg0: i32, %arg1: memref<4096x64xf32, #tpu.memory_space<vmem>>, %arg2: memref<64x1024xf32, #tpu.memory_space<vmem>>, %arg3: memref<32x128xi32, #tpu.memory_space<vmem>>, %arg4: memref<1x1xf32, #tpu.memory_space<vmem>>, %arg5: memref<1024x128xf32, #tpu.memory_space<vmem>>) attributes {dimension_semantics = [#tpu.dimension_semantics<arbitrary>], iteration_bounds = array<i64: 4>, scalar_prefetch = 0 : i64, scratch_operands = 0 : i64, tpu.core_type = #tpu.core_type<tc>, window_params = [{transform_indices = @transform_0, window_bounds = array<i64: 4096, 64>}, {pipeline_mode = #tpu.pipeline_mode<synchronous>, transform_indices = @transform_1, window_bounds = array<i64: 64, 1024>}, {transform_indices = @transform_2, window_bounds = array<i64: 32, 128>}, {pipeline_mode = #tpu.pipeline_mode<synchronous>, transform_indices = @transform_3, window_bounds = array<i64: 1, 1>}, {pipeline_mode = #tpu.pipeline_mode<synchronous>, transform_indices = @transform_4, window_bounds = array<i64: 1024, 128>}]} {
    %get3A = arith.constant 0 : index
    %get3A_0 = arith.constant 0 : index
    %get3A_1 = vector.load %arg2[%get3A, %get3A_0] : memref<64x1024xf32, #tpu.memory_space<vmem>>, vector<64x1024xf32>
    %get3A_2 = arith.constant 0 : index
    %get3A_3 = arith.constant 0 : index
    %get3A_4 = vector.load %arg1[%get3A_2, %get3A_3] : memref<4096x64xf32, #tpu.memory_space<vmem>>, vector<4096x64xf32>
    %mul3A = arith.constant -2.000000e+00 : f32
    %mul3A_5 = vector.broadcast %mul3A : f32 to vector<4096x64xf32>
    %mul3A_6 = arith.mulf %get3A_4, %mul3A_5 : vector<4096x64xf32>
    %dot_general3A = arith.constant dense<0.000000e+00> : vector<4096x1024xf32>
    %dot_general3A_7 = tpu.matmul %mul3A_6, %get3A_1, %dot_general3A {dimension_numbers = #tpu.dot_dimension_numbers<[1], [0], [0], [1], [0, 0, 1, 1], [], []>, transpose_lhs_hint = false} : vector<4096x64xf32>, vector<64x1024xf32>, vector<4096x1024xf32> -> vector<4096x1024xf32>
    %mul3A_8 = arith.mulf %get3A_4, %get3A_4 : vector<4096x64xf32>
    %reduce_sum3A = arith.constant dense<0.000000e+00> : vector<4096xf32>
    %reduce_sum3A_9 = vector.multi_reduction <add>, %mul3A_8, %reduce_sum3A [1] : vector<4096x64xf32> to vector<4096xf32>
    %broadcast_in_dim3A = vector.shape_cast %reduce_sum3A_9 : vector<4096xf32> to vector<4096x1xf32>
    %mul3A_10 = arith.mulf %get3A_1, %get3A_1 : vector<64x1024xf32>
    %reduce_sum3A_11 = arith.constant dense<0.000000e+00> : vector<1024xf32>
    %reduce_sum3A_12 = vector.multi_reduction <add>, %mul3A_10, %reduce_sum3A_11 [0] : vector<64x1024xf32> to vector<1024xf32>
    %broadcast_in_dim3A_13 = vector.shape_cast %reduce_sum3A_12 : vector<1024xf32> to vector<1x1024xf32>
    %add3A = vector.broadcast %broadcast_in_dim3A : vector<4096x1xf32> to vector<4096x1024xf32>
    %add3A_14 = vector.broadcast %broadcast_in_dim3A_13 : vector<1x1024xf32> to vector<4096x1024xf32>
    %add3A_15 = arith.addf %add3A, %add3A_14 : vector<4096x1024xf32>
    %add3A_16 = arith.addf %add3A_15, %dot_general3A_7 : vector<4096x1024xf32>
    %iota3A = tpu.iota {dimensions = array<i32: 1>} : vector<4096x1024xi32>
    %convert_element_type3A = arith.sitofp %iota3A : vector<4096x1024xi32> to vector<4096x1024xf32>
    %reduce_min3A = arith.constant dense<0x7F800000> : vector<4096xf32>
    %reduce_min3A_17 = vector.multi_reduction <minimumf>, %add3A_16, %reduce_min3A [1] : vector<4096x1024xf32> to vector<4096xf32>
    %broadcast_in_dim3A_18 = vector.shape_cast %reduce_min3A_17 : vector<4096xf32> to vector<4096x1xf32>
    %eq3A = vector.broadcast %broadcast_in_dim3A_18 : vector<4096x1xf32> to vector<4096x1024xf32>
    %eq3A_19 = arith.cmpf oeq, %add3A_16, %eq3A : vector<4096x1024xf32>
    %jit3A = arith.constant 1.024000e+03 : f32
    %broadcast_in_dim3A_20 = vector.broadcast %jit3A : f32 to vector<4096x1024xf32>
    %select_n3A = arith.select %eq3A_19, %convert_element_type3A, %broadcast_in_dim3A_20 : vector<4096x1024xi1>, vector<4096x1024xf32>
    %reduce_min3A_21 = arith.constant dense<0x7F800000> : vector<4096xf32>
    %reduce_min3A_22 = vector.multi_reduction <minimumf>, %select_n3A, %reduce_min3A_21 [1] : vector<4096x1024xf32> to vector<4096xf32>
    %convert_element_type3A_23 = arith.fptosi %reduce_min3A_22 : vector<4096xf32> to vector<4096xi32>
    %reshape3A = vector.shape_cast %convert_element_type3A_23 : vector<4096xi32> to vector<32x128xi32>
    %swap3A = arith.constant 0 : index
    %swap3A_24 = arith.constant 0 : index
    %swap3A_25 = vector.load %arg3[%swap3A, %swap3A_24] : memref<32x128xi32, #tpu.memory_space<vmem>>, vector<32x128xi32>
    tpu.vector_store %arg3[%swap3A, %swap3A_24], %reshape3A {strides = array<i32>} : memref<32x128xi32, #tpu.memory_space<vmem>>, vector<32x128xi32>,
    %reduce_sum3A_26 = vector.shape_cast %broadcast_in_dim3A_18 : vector<4096x1xf32> to vector<1x4096x1xf32>
    %reduce_sum3A_27 = arith.constant dense<0.000000e+00> : vector<1xf32>
    %reduce_sum3A_28 = vector.multi_reduction <add>, %reduce_sum3A_26, %reduce_sum3A_27 [1, 2] : vector<1x4096x1xf32> to vector<1xf32>
    %reduce_sum3A_29 = vector.shape_cast %reduce_sum3A_28 : vector<1xf32> to vector<1x1x1xf32>
    %reduce_sum3A_30 = vector.extract %reduce_sum3A_29[0, 0, 0] : f32 from vector<1x1x1xf32>
    %eq3A_31 = arith.constant 0 : i32
    %eq3A_32 = arith.cmpi eq, %arg0, %eq3A_31 : i32
    %convert_element_type3A_33 = arith.extui %eq3A_32 : i1 to i32
    %cond3A = arith.constant 0 : i32
    %cond3A_34 = arith.cmpi ne, %convert_element_type3A_33, %cond3A : i32
    scf.if %cond3A_34 {
      %broadcast_in_dim3A_43 = arith.constant 0.000000e+00 : f32
      %broadcast_in_dim3A_44 = vector.broadcast %broadcast_in_dim3A_43 : f32 to vector<1x1xf32>
      %swap3A_45 = arith.constant 0 : index
      %swap3A_46 = arith.constant 0 : index
      %swap3A_47 = vector.load %arg4[%swap3A_45, %swap3A_46] : memref<1x1xf32, #tpu.memory_space<vmem>>, vector<1x1xf32>
      tpu.vector_store %arg4[%swap3A_45, %swap3A_46], %broadcast_in_dim3A_44 {strides = array<i32>} : memref<1x1xf32, #tpu.memory_space<vmem>>, vector<1x1xf32>,
      %transpose3A = tpu.transpose %get3A_1, [1, 0] : vector<64x1024xf32> -> vector<1024x64xf32>
      %broadcast_in_dim3A_48 = arith.constant 0.000000e+00 : f32
      %broadcast_in_dim3A_49 = vector.broadcast %broadcast_in_dim3A_48 : f32 to vector<1024x64xf32>
      %concatenate3A = tpu.concatenate %transpose3A, %broadcast_in_dim3A_49 in 1 : vector<1024x64xf32>, vector<1024x64xf32> -> vector<1024x128xf32>
      %swap3A_50 = arith.constant 0 : index
      %swap3A_51 = arith.constant 0 : index
      %swap3A_52 = vector.load %arg5[%swap3A_50, %swap3A_51] : memref<1024x128xf32, #tpu.memory_space<vmem>>, vector<1024x128xf32>
      tpu.vector_store %arg5[%swap3A_50, %swap3A_51], %concatenate3A {strides = array<i32>} : memref<1024x128xf32, #tpu.memory_space<vmem>>, vector<1024x128xf32>,
    } else {
    }
    %get3A_35 = arith.constant 0 : index
    %get3A_36 = arith.constant 0 : index
    %get3A_37 = vector.load %arg4[%get3A_35, %get3A_36] : memref<1x1xf32, #tpu.memory_space<vmem>>, vector<1x1xf32>
    %broadcast_in_dim3A_38 = vector.broadcast %reduce_sum3A_30 : f32 to vector<1x1xf32>
    %add3A_39 = arith.addf %get3A_37, %broadcast_in_dim3A_38 : vector<1x1xf32>
    %swap3A_40 = arith.constant 0 : index
    %swap3A_41 = arith.constant 0 : index
    %swap3A_42 = vector.load %arg4[%swap3A_40, %swap3A_41] : memref<1x1xf32, #tpu.memory_space<vmem>>, vector<1x1xf32>
    tpu.vector_store %arg4[%swap3A_40, %swap3A_41], %add3A_39 {strides = array<i32>} : memref<1x1xf32, #tpu.memory_space<vmem>>, vector<1x1xf32>,
    return
  }
  func.func @transform_0(%arg0: i32) -> (i32, i32) {
    %c0_i32 = arith.constant 0 : i32
    %c0_i32_0 = arith.constant 0 : i32
    return %arg0, %c0_i32 : i32, i32
  }
  func.func @transform_1(%arg0: i32) -> (i32, i32) {
    %c0_i32 = arith.constant 0 : i32
    %c0_i32_0 = arith.constant 0 : i32
    %c0_i32_1 = arith.constant 0 : i32
    return %c0_i32, %c0_i32_0 : i32, i32
  }
  func.func @transform_2(%arg0: i32) -> (i32, i32) {
    %c0_i32 = arith.constant 0 : i32
    %c0_i32_0 = arith.constant 0 : i32
    return %arg0, %c0_i32 : i32, i32
  }
  func.func @transform_3(%arg0: i32) -> (i32, i32) {
    %c0_i32 = arith.constant 0 : i32
    %c0_i32_0 = arith.constant 0 : i32
    %c0_i32_1 = arith.constant 0 : i32
    return %c0_i32, %c0_i32_0 : i32, i32
  }
  func.func @transform_4(%arg0: i32) -> (i32, i32) {
    %c0_i32 = arith.constant 0 : i32
    %c0_i32_0 = arith.constant 0 : i32
    %c0_i32_1 = arith.constant 0 : i32
    return %c0_i32, %c0_i32_0 : i32, i32
  }
}

</mosaic_0001>

<sc_bundles>
// kernel: kernel.4.cloned.1.call-start
scs
__scs_entry_jumppad:
0x0: {  	(pc) =	sbr.rel $0x88, $3  }
0x1: {  	(tag) =	ssettag $0x0;
	lr =	simm.s32 $0x1  }
0x2: {  	[smem:$0x3F9F] =	sst lr;
	_ =	strace $0xD0000000  }
0x3: {  	_ = 	snop  }
0x4: {  	_ = 	snop  }
0x5: {  	_ = 	snop  }
0x6: {  	_ = 	snop  }
0x7: {  	_ = 	snop  }
__scs_overlays_trampoline_lowered:
0x8: {  	[smem:$0x3FAE] =	sst s0  }
0x9: {  	[smem:$0x3FAF] =	sst s1  }
0xa: {  	[smem:$0x3FB0] =	sst s2  }
0xb: {  	[smem:$0x3FB1] =	sst s3  }
0xc: {  	[smem:$0x3FB2] =	sst s4  }
0xd: {  	[smem:$0x3FB3] =	sst s5  }
0xe: {  	[smem:$0x3FB4] =	sst s6  }
0xf: {  	[smem:$0x3FB5] =	sst s7  }
0x10: {  	[smem:$0x3FB6] =	sst s8  }
0x11: {  	[smem:$0x3FB7] =	sst s9;
	s0 =	simm.s32 @!p0 $0x0  }
0x12: {  	s1 =	sld [smem:$0x3F9D];
	s0 =	simm.s32 @p0 $0x1  }
0x13: {  	[smem:$0x3FB8] =	sst s0;
	s0 =	simm.s32 @!p1 $0x0  }
0x14: {  	s2 =	sld [smem:$0x3F9C];
	s0 =	simm.s32 @p1 $0x1  }
0x15: {  	[smem:$0x3FB9] =	sst s0;
	s0 =	simm.s32 @!p2 $0x0  }
0x16: {  	s3 =	sld [smem:$0x3FDB];
	s0 =	simm.s32 @p2 $0x1  }
0x17: {  	s4 =	simm.s32 $0x1BF5;
	[smem:$0x3FBB] =	sst s0  }
0x18: {  	s0 =	sld [smem:$0x3F9E];
	_ =	swait.ge [sflag:s4], $0x0  }
0x19: {  	s7 =	sld [smem:$0x3F9F]  }
0x1a: {  	s8 =	sadd.s32 $0xFFFFE003, lr  }
0x1b: {  	s9 =	sadd.s32 $0xFFFFFEF7, lr;
	s5 =	simm.s32 $0xFFFFFFFF;
	p2 =	slt.u32 s8, $0xFFFFF086  }
0x1c: {  	p1 =	slt.u32 s9, $0xF7A;
	s5 =	simm.s32 @!p2 $0x0  }
0x1d: {  	s5 =	simm.s32 @p1 $0x1;
	p0 =	seq.s32 s7, s2  }
0x1e: {  	s7 =	smul.u32 @!p0 $0xF7A, s2;
	p2 =	seq.s32 @!p0 s5, $0x0  }
0x1f: {  	s9 =	smul.u32 $0xF7A, s1;
	s8 =	simm.s32 @!p0 $0x1BF5;
	p2 =	por !p2, p0  }
0x20: {  	[sflag:s8] =	ssyncset.s32 @!p0 $0xFFFFF086;
	s6 =	sadd.s32 @!p0 s3, s7;
	s7 =	simm.s32 @!p0 $0x108  }
0x21: {  	s3 =	sadd.s32 s3, s9;
	s6 =	sadd.s32 @!p0 $0x88, s6;
	s7 =	simm.s32 @p2 $0x1082  }
0x22: {  	[simem:s7], [sflag:s8] =	dma.local @!p0 [hbm:s6], $0xF7A  }
0x23: {  	s9 =	sor.u32 $0xD0000000, s2;
	s6 =	simm.s32 $0x108;
	_ =	swait.ge @!p0 [sflag:s8], $0x0  }
0x24: {  	s3 =	sadd.s32 $0x88, s3;
	s6 =	simm.s32 @!p1 $0x1082;
	[sflag:s4] =	ssyncset.s32 $0xFFFFF086  }
0x25: {  	[simem:s6], [sflag:s4] =	dma.local [hbm:s3], $0xF7A  }
0x26: {  	[smem:$0x3F9F] =	sst s1;
	(tag) =	ssettag s2;
	_ =	strace s9  }
0x27: {  	s1 =	sld [smem:$0x3FAF]  }
0x28: {  	s2 =	sld [smem:$0x3FB0]  }
0x29: {  	s4 =	sld [smem:$0x3FB2]  }
0x2a: {  	p0 =	seq.s32 s5, $0x0;
	s5 =	sld [smem:$0x3FB3]  }
0x2b: {  	s6 =	sld [smem:$0x3FB4]  }
0x2c: {  	s7 =	sld [smem:$0x3FB5]  }
0x2d: {  	s3 =	simm.s32 $0x108;
	s8 =	sld [smem:$0x3FB6]  }
0x2e: {  	s3 =	simm.s32 @!p0 $0x1082;
	s9 =	sld [smem:$0x3FB7]  }
0x2f: {  	lr =	sadd.s32 s0, s3;
	s0 =	sld [smem:$0x3FAE]  }
0x30: {  	s3 =	sld [smem:$0x3FB1]  }
0x31: {  	[smem:$0x3FBA] =	sst s10  }
0x32: {  	s10 =	sld [smem:$0x3FB8];
	_ =	sdelay $0x3  }
0x33: {  	p0 =	seq.s32 s10, $0x1;
	s10 =	sld [smem:$0x3FBA];
	_ =	sdelay $0x3  }
0x34: {  	[smem:$0x3FBA] =	sst s10  }
0x35: {  	s10 =	sld [smem:$0x3FB9];
	_ =	sdelay $0x3  }
0x36: {  	p1 =	seq.s32 s10, $0x1;
	s10 =	sld [smem:$0x3FBA];
	_ =	sdelay $0x3  }
0x37: {  	[smem:$0x3FBA] =	sst s10  }
0x38: {  	s10 =	sld [smem:$0x3FBB]  }
0x39: {  	_ = 	snop;
	(pc) =	sbr.ind lr, $3  }
0x3a: {  	_ = 	snop  }
0x3b: {  	_ = 	snop  }
0x3c: {  	p2 =	seq.s32 s10, $0x1;
	s10 =	sld [smem:$0x3FBA]  }
0x3d: {  	_ =	shalt  }
0x3e: {  	_ =	shalt  }
0x3f: {  	_ =	shalt  }
0x40: {  	_ =	shalt  }
0x41: {  	_ =	shalt  }
0x42: {  	_ =	shalt  }
0x43: {  	_ =	shalt  }
0x44: {  	_ =	shalt  }
0x45: {  	_ =	shalt  }
0x46: {  	_ =	shalt  }
0x47: {  	_ =	shalt  }
0x48: {  	_ =	shalt  }
0x49: {  	_ =	shalt  }
0x4a: {  	_ =	shalt  }
0x4b: {  	_ =	shalt  }
0x4c: {  	_ =	shalt  }
0x4d: {  	_ =	shalt  }
0x4e: {  	_ =	shalt  }
0x4f: {  	_ =	shalt  }
0x50: {  	_ =	shalt  }
0x51: {  	_ =	shalt  }
0x52: {  	_ =	shalt  }
0x53: {  	_ =	shalt  }
0x54: {  	_ =	shalt  }
0x55: {  	_ =	shalt  }
0x56: {  	_ =	shalt  }
0x57: {  	_ =	shalt  }
0x58: {  	_ =	shalt  }
0x59: {  	_ =	shalt  }
0x5a: {  	_ =	shalt  }
0x5b: {  	_ =	shalt  }
0x5c: {  	_ =	shalt  }
0x5d: {  	_ =	shalt  }
0x5e: {  	_ =	shalt  }
0x5f: {  	_ =	shalt  }
0x60: {  	_ =	shalt  }
0x61: {  	_ =	shalt  }
0x62: {  	_ =	shalt  }
0x63: {  	_ =	shalt  }
0x64: {  	_ =	shalt  }
0x65: {  	_ =	shalt  }
0x66: {  	_ =	shalt  }
0x67: {  	_ =	shalt  }
0x68: {  	_ =	shalt  }
0x69: {  	_ =	shalt  }
0x6a: {  	_ =	shalt  }
0x6b: {  	_ =	shalt  }
0x6c: {  	_ =	shalt  }
0x6d: {  	_ =	shalt  }
0x6e: {  	_ =	shalt  }
0x6f: {  	_ =	shalt  }
0x70: {  	_ =	shalt  }
0x71: {  	_ =	shalt  }
0x72: {  	_ =	shalt  }
0x73: {  	_ =	shalt  }
0x74: {  	_ =	shalt  }
0x75: {  	_ =	shalt  }
0x76: {  	_ =	shalt  }
0x77: {  	_ =	shalt  }
0x78: {  	_ =	shalt  }
0x79: {  	_ =	shalt  }
0x7a: {  	_ =	shalt  }
0x7b: {  	_ =	shalt  }
0x7c: {  	_ =	shalt  }
0x7d: {  	_ =	shalt  }
0x7e: {  	_ =	shalt  }
0x7f: {  	_ =	shalt  }
0x80: {  	_ =	shalt  }
0x81: {  	_ =	shalt  }
0x82: {  	_ =	shalt  }
0x83: {  	_ =	shalt  }
0x84: {  	_ =	shalt  }
0x85: {  	_ =	shalt  }
0x86: {  	_ =	shalt  }
0x87: {  	_ =	shalt  }
.Lfunc_end0:
.L_simem_size_0:
called_computation_lowered:
.L_overlay_start_0:
0x88: {  	s2 =	sld [smem:$0x3FD9]  }
0x89: {  	s3 =	sld [smem:$0x3FFE];
	_ =	sdelay $0x1  }
0x8a: {  	s1 =	srdreg.scid  }
0x8b: {  	s0 =	sand.u32 $0x1, s1  }
0x8c: {  	s14 =	sshll.u32 s0, $0xA;
	s2 =	sadd.s32 s3, s2  }
0x8d: {  	s2 =	sadd.s32 s2, s14  }
0x8e: {  	[smem:$0x3FC6] =	sst s2  }
0x8f: {  	_ = 	snop  }
0x90: {  	s2 =	sld [smem:$0x3FD0];
	_ =	sdelay $0x2  }
0x91: {  	s15 =	simm.s32 $0xA;
	s4 =	simm.s32 $0x10  }
0x92: {  	[smem:s4], [sflag:s15] =	dma.local [hbm:s2], $0x1  }
0x93: {  	_ =	swait.eq [sflag:s15], $0x1  }
0x94: {  	[sflag:s15] =	ssyncset.done $0x0  }
0x95: {  	[sflag:s15] =	ssyncadd.s32 $0xFFFFFFFF  }
0x96: {  	s16 =	sld [smem:$0x10];
	(tm) =	ssettm $0x1  }
0x97: {  	s17 =	sld [smem:$0x3FFB];
	_ =	sdelay $0x3  }
0x98: {  	_ =	strace s17  }
0x99: {  	s3 =	sld [smem:$0x3FFC];
	_ =	sdelay $0x3  }
0x9a: {  	_ =	strace s3  }
0x9b: {  	s3 =	sld [smem:$0x3FFD];
	_ =	sdelay $0x3  }
0x9c: {  	_ =	strace s3  }
0x9d: {  	_ =	strace $0x8FFFFFFF  }
0x9e: {  	s18 =	sld [smem:$0x3FDB];
	_ =	sdelay $0x1  }
0x9f: {  	s19 =	simm.s32 $_scs_section_size  }
0xa0: {  	s5 =	simm.s32 $_size__tile_overlayer_lowered;
	s6 =	simm.s32 $_tile_overlayer_lowered  }
0xa1: {  	s22 =	simm.s32 $0x1BFF;
	s21 =	sshll.u32 s6, $0x1;
	s3 =	sadd.s32 s19, s18  }
0xa2: {  	s7 =	simm.s32 $0x0;
	s20 =	sshll.u32 s5, $0x1;
	s5 =	sadd.s32 s21, s3  }
0xa3: {  	[timem:s7], [sflag:s22] =	dma.local [hbm:s5], s20  }
0xa4: {  	_ =	swait.ge [sflag:s22], s20  }
0xa5: {  	s4 =	ssub.s32 $0x0, s20;
	[sflag:s22] =	ssyncset.done $0x0  }
0xa6: {  	[sflag:s22] =	ssyncadd.s32 s4;
	_ =	sdelay $0x1  }
0xa7: {  	s23 =	simm.s32 $0x1B8B  }
0xa8: {  	_ =	swait.ge [sflag:s23], $0x1  }
0xa9: {  	[sflag:s23] =	ssyncset.done $0x0  }
0xaa: {  	s25 =	simm.s32 $0x1B8E;
	s24 =	sld [smem:$0x3FFE];
	[sflag:s23] =	ssyncadd.s32 $0xFFFFFFFF  }
0xab: {  	s26 =	simm.s32 $execute0_lowered;
	[smem:$0x3FD2] =	sst s25  }
0xac: {  	s5 =	sshll.u32 s26, $0x1;
	_ =	strace $0x80000046;
	[dreg:$0x1] =	wrdreg $0xFFFFFFFF  }
0xad: {  	s28 =	simm.s32 $_size_execute0_lowered;
	s3 =	sadd.s32 s3, s5;
	[dreg:$0x0] =	wrdreg $0x0  }
0xae: {  	s5 =	sshll.u32 s28, $0x1;
	[dreg:$0x2] =	wrdreg s3  }
0xaf: {  	[dreg:$0x3] =	wrdreg s5  }
0xb0: {  	[dreg:$0x4] =	wrdreg $0xC0  }
0xb1: {  	_ =	task [dreg:s7], $0x5FFFF  }
0xb2: {  	[dreg:$0x1] =	wrdreg $0xFFFFFFFF  }
0xb3: {  	[dreg:$0x0] =	wrdreg $0x60  }
0xb4: {  	[dreg:$0x2] =	wrdreg s24  }
0xb5: {  	[dreg:$0x3] =	wrdreg s16  }
0xb6: {  	[dreg:$0x4] =	wrdreg $0x9  }
0xb7: {  	_ =	task.clear_ibuf [dreg:s7], $0x5FFFF;
	_ =	strace $0x90000046  }
0xb8: {  	s29 =	simm.s32 $0x9;
	_ =	strace $0x80000048  }
0xb9: {  	_ =	swait.ge [sflag:s29], $0x1  }
0xba: {  	[sflag:s29] =	ssyncadd.s32 $0xFFFFFFFF  }
0xbb: {  	_ =	strace $0x90000048  }
0xbc: {  	_ =	sfence  }
0xbd: {  	s30 =	sld [smem:$0x0];
	_ =	sdelay $0x2  }
0xbe: {  	s31 =	sshll.u32 s1, $0xD;
	s1 =	sshrl.u32 s1, $0x2  }
0xbf: {  	s3 =	sand.u32 $0x4000, s31;
	s1 =	sadd.s32 s1, s30  }
0xc0: {  	s0 =	sor.u32 s3, s0;
	s1 =	sshll.u32 s1, $0x11  }
0xc1: {  	s0 =	sor.u32 s1, s0  }
0xc2: {  	s0 =	sadd.s32 $0x8F2B, s0  }
0xc3: {  	[sflag:s0] =	ssyncadd.remote.s32 $0x1  }
0xc4: {  	_ =	sfence.sel $0xFFFF  }
0xc5: {  	[dreg:$0x0] =	wrdreg $0xFFFFFFFF;
	(pc) =	sbr.abs _section_cstart, $3  }
0xc6: {  	[dreg:$0x1] =	wrdreg $0xFFFFFFFF  }
0xc7: {  	_ =	task.clear_ibuf [dreg:s7], $0x2FFFF;
	_ =	strace $0x9FFFFFFF  }
0xc8: {  	(tm) =	ssettm $0x7FFFFFFF  }
0xc9: {  	_ =	shalt  }
tec
execute0_lowered:
.L_overlay_start_1:
0x0: {  	(tag) =	ssettag $0x1  }
0x1: {  	s4 =	rddreg [dreg:$0x0]  }
0x2: {  	s5 =	rddreg [dreg:$0x1]  }
0x3: {  	s0 =	rddreg [dreg:$0x2]  }
0x4: {  	s1 =	simm.s32 $0x0;
	s2 =	srdreg.scid;
	s10 =	simm.s32 $0x1  }
0x5: {  	s11 =	simm.s32 $0x4200;
	s12 =	simm.s32 $0x2;
	s13 =	simm.s32 $0x100  }
0x6: {  	s14 =	simm.s32 $0x180;
	s15 =	simm.s32 $0x8200;
	s16 =	simm.s32 $0x0  }
0x7: {  	[smem:$0x7FF] =	sst s1;
	s3 =	sadd.s32 $0xE00, s4;
	s6 =	sand.u32 $0x1, s2  }
0x8: {  	s2 =	stileid.u32;
	_ =	strace $0x80000047;
	s7 =	sshll.u32 s6, $0x6  }
0x9: {  	s8 =	ssub.s32 $0x2, s6;
	s9 =	sshll.u32 s2, $0x7;
	s6 =	sshll.u32 s6, $0xD  }
0xa: {  	s31 =	sshll.u32 s2, $0xE;
	s4 =	sadd.s32 s7, s4;
	s30 =	sshrl.u32 s8, $0x1  }
0xb: {  	s5 =	sadd.s32 s5, s6;
	s7 =	ssub.s32 s8, s30;
	s4 =	sadd.s32 s9, s4  }
0xc: {  	s5 =	sadd.s32 s31, s5;
	s8 =	simm.s32 $0x80;
	s9 =	simm.s32 $0x200  }
0xd: {  	s4 =	sadd.s32 $0x4E00, s4;
	s6 =	smax.u32 s7, $0x1;
	s7 =	simm.s32 $0x3  }
.LBB2_1:
0xe: {  	[tilespmem:s1], [sflag:$0x3] =	stream.linear.gather [hbm4b:s4+s1], $0x200, $0x38;
	[tilespmem:$0x18200] =	vst v63  }
0xf: {  	_ =	swait.ge [sflag:s7], $0x200  }
0x10: {  	[sflag:s7] =	ssyncset.done $0x0  }
0x11: {  	[sflag:s7] =	ssyncadd.s32 $0xFFFFFE00  }
0x12: {  	[tilespmem:s9], [sflag:$0x1] =	stream.indirect.gather [hbm4b:s3+s8], $0x80, s1, s8, $0xb8;
	[tilespmem:$0x18200] =	vst v63  }
0x13: {  	_ =	swait.ge [sflag:s10], $0x4000  }
0x14: {  	[sflag:s10] =	ssyncset.done $0x0  }
0x15: {  	s17 =	simm.s32 $0x0;
	[sflag:s10] =	ssyncadd.s32 $0xFFFFC000  }
0x16: {  	[tilespmem:s11], [sflag:$0x2] =	stream.indirect.gather [hbm4b:s3+s8], $0x80, s8, s8, $0xb8;
	[tilespmem:$0x18200] =	vst v63  }
0x17: {  	v0 =	vld [tilespmem:s17+$0x230]  }
0x18: {  	v1 =	vld [tilespmem:s17+$0x200]  }
0x19: {  	v2 =	vld [tilespmem:s17+$0x210]  }
0x1a: {  	s18 =	simm.s32 $0x200;
	v3 =	vld [tilespmem:s17+$0x220]  }
.LBB2_2:
0x1b: {  	p0 =	sne.s32 s18, $0xFE00  }
.Ltmp0:
0x1c: {  	s19 =	sshra.s32 s18, $0x2;
	s18 =	sadd.s32 $0x200, s18;
	[tilespmem:s17+$0x8230] =	vst v0;
	(pc) =	sbr.rel @p0 .LBB2_2-.Ltmp0, $4  }
0x1d: {  	v0 =	vld [tilespmem:s19+$0x230];
	[tilespmem:s17+$0x8200] =	vst v1  }
0x1e: {  	v1 =	vld [tilespmem:s19+$0x200];
	[tilespmem:s17+$0x8210] =	vst v2  }
0x1f: {  	v2 =	vld [tilespmem:s19+$0x210];
	[tilespmem:s17+$0x8220] =	vst v3;
	s17 =	smov.u32 s19  }
0x20: {  	v3 =	vld [tilespmem:s17+$0x220]  }
0x21: {  	_ = 	snop  }
0x22: {  	[tilespmem:s17+$0x8230] =	vst v0  }
0x23: {  	[tilespmem:s17+$0x8200] =	vst v1  }
0x24: {  	[tilespmem:s17+$0x8210] =	vst v2  }
0x25: {  	[tilespmem:s17+$0x8220] =	vst v3  }
0x26: {  	_ =	swait.ge [sflag:s12], $0x4000  }
0x27: {  	[sflag:s12] =	ssyncset.done $0x0  }
0x28: {  	s17 =	simm.s32 $0x0;
	[sflag:s12] =	ssyncadd.s32 $0xFFFFC000  }
0x29: {  	[tilespmem:s9], [sflag:$0x1] =	stream.indirect.gather [hbm4b:s3+s8], $0x80, s13, s8, $0xb8;
	[tilespmem:$0x18200] =	vst v63  }
0x2a: {  	v0 =	vld [tilespmem:s17+$0x4230]  }
0x2b: {  	v1 =	vld [tilespmem:s17+$0x4200]  }
0x2c: {  	v2 =	vld [tilespmem:s17+$0x4210]  }
0x2d: {  	s18 =	simm.s32 $0x200;
	v3 =	vld [tilespmem:s17+$0x4220]  }
.LBB2_4:
0x2e: {  	p0 =	sne.s32 s18, $0xFE00  }
.Ltmp1:
0x2f: {  	s19 =	sshra.s32 s18, $0x2;
	s18 =	sadd.s32 $0x200, s18;
	[tilespmem:s17+$0xC230] =	vst v0;
	(pc) =	sbr.rel @p0 .LBB2_4-.Ltmp1, $4  }
0x30: {  	v0 =	vld [tilespmem:s19+$0x4230];
	[tilespmem:s17+$0xC200] =	vst v1  }
0x31: {  	v1 =	vld [tilespmem:s19+$0x4200];
	[tilespmem:s17+$0xC210] =	vst v2  }
0x32: {  	v2 =	vld [tilespmem:s19+$0x4210];
	[tilespmem:s17+$0xC220] =	vst v3;
	s17 =	smov.u32 s19  }
0x33: {  	v3 =	vld [tilespmem:s17+$0x4220]  }
0x34: {  	_ = 	snop  }
0x35: {  	[tilespmem:s17+$0xC230] =	vst v0  }
0x36: {  	[tilespmem:s17+$0xC200] =	vst v1  }
0x37: {  	[tilespmem:s17+$0xC210] =	vst v2  }
0x38: {  	[tilespmem:s17+$0xC220] =	vst v3  }
0x39: {  	_ =	swait.ge [sflag:s10], $0x4000  }
0x3a: {  	[sflag:s10] =	ssyncset.done $0x0  }
0x3b: {  	s17 =	simm.s32 $0x0;
	[sflag:s10] =	ssyncadd.s32 $0xFFFFC000  }
0x3c: {  	[tilespmem:s11], [sflag:$0x2] =	stream.indirect.gather [hbm4b:s3+s8], $0x80, s14, s8, $0xb8;
	[tilespmem:$0x18200] =	vst v63  }
0x3d: {  	v0 =	vld [tilespmem:s17+$0x230]  }
0x3e: {  	v1 =	vld [tilespmem:s17+$0x200]  }
0x3f: {  	v2 =	vld [tilespmem:s17+$0x210]  }
0x40: {  	s18 =	simm.s32 $0x200;
	v3 =	vld [tilespmem:s17+$0x220]  }
.LBB2_6:
0x41: {  	p0 =	sne.s32 s18, $0xFE00  }
.Ltmp2:
0x42: {  	s19 =	sshra.s32 s18, $0x2;
	s18 =	sadd.s32 $0x200, s18;
	[tilespmem:s17+$0x10230] =	vst v0;
	(pc) =	sbr.rel @p0 .LBB2_6-.Ltmp2, $4  }
0x43: {  	v0 =	vld [tilespmem:s19+$0x230];
	[tilespmem:s17+$0x10200] =	vst v1  }
0x44: {  	v1 =	vld [tilespmem:s19+$0x200];
	[tilespmem:s17+$0x10210] =	vst v2  }
0x45: {  	v2 =	vld [tilespmem:s19+$0x210];
	[tilespmem:s17+$0x10220] =	vst v3;
	s17 =	smov.u32 s19  }
0x46: {  	v3 =	vld [tilespmem:s17+$0x220]  }
0x47: {  	_ = 	snop  }
0x48: {  	[tilespmem:s17+$0x10230] =	vst v0  }
0x49: {  	[tilespmem:s17+$0x10200] =	vst v1  }
0x4a: {  	[tilespmem:s17+$0x10210] =	vst v2  }
0x4b: {  	[tilespmem:s17+$0x10220] =	vst v3  }
0x4c: {  	_ =	swait.ge [sflag:s12], $0x4000  }
0x4d: {  	[sflag:s12] =	ssyncset.done $0x0  }
0x4e: {  	s17 =	simm.s32 $0x0;
	[sflag:s12] =	ssyncadd.s32 $0xFFFFC000  }
0x4f: {  	v0 =	vld [tilespmem:s17+$0x4230]  }
0x50: {  	v1 =	vld [tilespmem:s17+$0x4200]  }
0x51: {  	v2 =	vld [tilespmem:s17+$0x4210]  }
0x52: {  	s18 =	simm.s32 $0x200;
	v3 =	vld [tilespmem:s17+$0x4220]  }
.LBB2_8:
0x53: {  	p0 =	sne.s32 s18, $0xFE00  }
.Ltmp3:
0x54: {  	s19 =	sshra.s32 s18, $0x2;
	s18 =	sadd.s32 $0x200, s18;
	[tilespmem:s17+$0x14230] =	vst v0;
	(pc) =	sbr.rel @p0 .LBB2_8-.Ltmp3, $4  }
0x55: {  	v0 =	vld [tilespmem:s19+$0x4230];
	[tilespmem:s17+$0x14200] =	vst v1  }
0x56: {  	v1 =	vld [tilespmem:s19+$0x4200];
	[tilespmem:s17+$0x14210] =	vst v2  }
0x57: {  	v2 =	vld [tilespmem:s19+$0x4210];
	[tilespmem:s17+$0x14220] =	vst v3;
	s17 =	smov.u32 s19  }
0x58: {  	v3 =	vld [tilespmem:s17+$0x4220]  }
0x59: {  	_ = 	snop  }
0x5a: {  	[tilespmem:s17+$0x14230] =	vst v0  }
0x5b: {  	s16 =	sadd.s32 $0x1, s16;
	[tilespmem:s17+$0x14200] =	vst v1  }
0x5c: {  	p0 =	sne.s32 s16, s6;
	[tilespmem:s17+$0x14210] =	vst v2  }
.Ltmp4:
0x5d: {  	[tilespmem:s17+$0x14220] =	vst v3;
	(pc) =	sbr.rel @p0 .LBB2_1-.Ltmp4, $4  }
0x5e: {  	[hbm4b:s5+s1] =	stream.linear.scatter [tilespmem:s15], [sflag:$0x3], $0x10000, $0x38;
	[tilespmem:$0x18200] =	vst v63  }
0x5f: {  	_ =	swait.ge [sflag:s7], $0x10000  }
0x60: {  	[sflag:s7] =	ssyncset.done $0x0  }
0x61: {  	[sflag:s7] =	ssyncadd.s32 $0xFFFF0000  }
0x62: {  	_ =	sfence.sel $0x180000  }
0x63: {  	[bflag:$0x0] =	sbarrier.arrive $0xFFFF  }
0x64: {  	p0 =	sne.s32 s2, $0x0;
	_ =	strace $0x90000047  }
0x65: {  	s0 =	sadd.s32 @!p0 $0x100000, s0;
	[bflag:$0x2] =	sbarrier.arrive $0xFFFF  }
0x66: {  	[sflag:s0] =	ssyncadd.tile.s32 @!p0 $0x1;
	_ =	shalt  }
.Lfunc_end2:
_tile_overlayer_lowered:
.L_overlay_start_2:
0x67: {  	(tag) =	ssettag $0x2  }
0x68: {  	s0 =	rddreg [dreg:$0x0];
	s2 =	stileid.u32  }
0x69: {  	s1 =	rddreg [dreg:$0x1];
	p0 =	sne.s32 s2, $0x0  }
0x6a: {  	s3 =	rddreg [dreg:$0x2];
	[bflag:$0x3] =	sbarrier.arrive $0xFFFF;
	s2 =	simm.s32 @!p0 $0x1C03  }
0x6b: {  	[timem:s3], [sflag:s2] =	dma.local @!p0 [hbm:s0], s1  }
0x6c: {  	s0 =	simm.s32 @!p0 $0x3  }
0x6d: {  	_ =	swait.ge @!p0 [sflag:s0], s1  }
0x6e: {  	s1 =	ssub.s32 @!p0 $0x0, s1;
	[sflag:s0] =	ssyncset.done @!p0 $0x0  }
0x6f: {  	[sflag:s0] =	ssyncadd.s32 @!p0 s1  }
0x70: {  	[bflag:$0x3] =	sbarrier.arrive $0xFFFF  }
0x71: {  	_ =	shalt  }

</sc_bundles>
